<compile_context>
chip_gen: v7x
topology: tpu7x:2x2x1
jax: 0.10.2.dev20260603
libtpu: 0.0.44.dev20260713+nightly
codegen_flags: <defaults>
</compile_context>

<pallas_src>
import jax
import jax.numpy as jnp
from jax import lax
from jax.experimental import pallas as pl
from jax.experimental.pallas import tpu as pltpu, tpu_sc as plsc

NUM_ITEMS = 1000000
NUM_WORKERS = 1000
BATCH = 16384

NC = 2
NS = 16
NW = NC * NS
BPW = BATCH // NW
LANES = 16


def _tile_body(win_hbm, los_hbm, ann_hbm, item_hbm, beta_hbm, out_hbm,
               win_v, los_v, ann_v, rw_v, rl_v, beta_v, out_v,
               sem_in, sem_g):
    wid = lax.axis_index("s") * NC + lax.axis_index("c")

    cp_w = pltpu.async_copy(win_hbm.at[wid], win_v, sem_in)
    cp_l = pltpu.async_copy(los_hbm.at[wid], los_v, sem_in)
    cp_a = pltpu.async_copy(ann_hbm.at[wid], ann_v, sem_in)
    cp_b = pltpu.async_copy(beta_hbm, beta_v, sem_in)
    cp_w.wait()
    cp_l.wait()

    HALF = BPW // 2
    win_f = win_v.at[0]
    los_f = los_v.at[0]
    lo, hi = pl.ds(0, HALF), pl.ds(HALF, HALF)
    g1a = pltpu.async_copy(item_hbm.at[win_f.at[lo]], rw_v.at[lo], sem_g)
    g2a = pltpu.async_copy(item_hbm.at[los_f.at[lo]], rl_v.at[lo], sem_g)
    g1b = pltpu.async_copy(item_hbm.at[win_f.at[hi]], rw_v.at[hi], sem_g)
    g2b = pltpu.async_copy(item_hbm.at[los_f.at[hi]], rl_v.at[hi], sem_g)
    cp_a.wait()
    cp_b.wait()

    ann_f = ann_v.at[0]

    def compute_range(base):
        @pl.loop(0, HALF // LANES, unroll=4)
        def _compute(i):
            sl = pl.ds(base + i * LANES, LANES)
            bt = plsc.load_gather(beta_v, [ann_f[sl]])
            out_v[sl] = bt * (rw_v[sl] - rl_v[sl])

    g1a.wait()
    g2a.wait()
    compute_range(0)
    g1b.wait()
    g2b.wait()
    compute_range(HALF)

    pltpu.sync_copy(out_v, out_hbm.at[pl.ds(wid * BPW, BPW)])


ITEM_PAD = 1000448
BETA_PAD = 1024


def kernel(winners, losers, annotators, item_rewards, worker_betas):
    win = winners.astype(jnp.int32).reshape(NW, 1, BPW)
    los = losers.astype(jnp.int32).reshape(NW, 1, BPW)
    ann = annotators.astype(jnp.int32).reshape(NW, 1, BPW)
    item = jnp.pad(item_rewards.T,
                   ((0, 0), (0, ITEM_PAD - NUM_ITEMS))).reshape(ITEM_PAD)
    beta = worker_betas.reshape(NUM_WORKERS)

    mesh = plsc.VectorSubcoreMesh(core_axis_name="c", subcore_axis_name="s",
                                  num_cores=NC, num_subcores=NS)
    out = pl.kernel(
        _tile_body,
        out_type=jax.ShapeDtypeStruct((BATCH,), jnp.float32),
        mesh=mesh,
        scratch_types=[
            pltpu.VMEM((1, BPW), jnp.int32),
            pltpu.VMEM((1, BPW), jnp.int32),
            pltpu.VMEM((1, BPW), jnp.int32),
            pltpu.VMEM((BPW,), jnp.float32),
            pltpu.VMEM((BPW,), jnp.float32),
            pltpu.VMEM((NUM_WORKERS,), jnp.float32),
            pltpu.VMEM((BPW,), jnp.float32),
            pltpu.SemaphoreType.DMA,
            pltpu.SemaphoreType.DMA,
        ],
        compiler_params=pltpu.CompilerParams(needs_layout_passes=False),
    )(win, los, ann, item, beta)
    return out

# --- scband reference (transcript-rebuilt; emitter-appended) ---
"""Pipeline reference for scband-gradient-em-31860067402343 (READ-ONLY COPY).

The authoritative reference and input builder live on the scoring server;
editing this copy changes nothing except your own understanding.
"""

import jax, jax.numpy as jnp
import numpy as np

NUM_ITEMS = 1000000
NUM_WORKERS = 1000
BATCH = 16384

def setup_inputs(seed: int = 0) -> dict:
    key = jax.random.key(seed)
    k1, k2, k3, k4, k5 = jax.random.split(key, 5)
    winners = jax.random.randint(k1, (BATCH,), 0, NUM_ITEMS, dtype=jnp.int64 if jax.config.jax_enable_x64 else jnp.int32)
    losers = jax.random.randint(k2, (BATCH,), 0, NUM_ITEMS, dtype=jnp.int64 if jax.config.jax_enable_x64 else jnp.int32)
    annotators = jax.random.randint(k3, (BATCH,), 0, NUM_WORKERS, dtype=jnp.int64 if jax.config.jax_enable_x64 else jnp.int32)
    # item_rewards: normal(0,1), then centered to zero mean (matches torch init)
    item_rewards = jax.random.normal(k4, (NUM_ITEMS, 1), dtype=jnp.float32)
    item_rewards = item_rewards - item_rewards.mean()
    # worker_betas: uniform(-1, 1)
    worker_betas = jax.random.uniform(k5, (NUM_WORKERS, 1), dtype=jnp.float32, minval=-1.0, maxval=1.0)
    return {
        "winners": winners,
        "losers": losers,
        "annotators": annotators,
        "item_rewards": item_rewards,
        "worker_betas": worker_betas,
    }

def reference(winners, losers, annotators, item_rewards, worker_betas):
    # embedding lookups -> gather rows
    r_w = jnp.take(item_rewards, winners, axis=0)      # [B, 1]
    r_l = jnp.take(item_rewards, losers, axis=0)       # [B, 1]
    beta_s = jnp.take(worker_betas, annotators, axis=0)  # [B, 1]
    logits = beta_s * (r_w - r_l)                      # [B, 1]
    return jnp.squeeze(logits)                         # [B]

if __name__ == "__main__":
    import jax
    _d = setup_inputs()
    print(jax.jit(kernel)(*tuple(_d.values())))

</pallas_src>

<mosaic_0001>
#map = affine_map<(d0, d1) -> (0, 0, 0)>
#map1 = affine_map<(d0, d1) -> (0)>
module attributes {stable_mosaic.version = 14 : i64} {
  func.func @_tile_body(%arg0: i32, %arg1: i32, %arg2: memref<32x1x512xi32, #tpu.memory_space<hbm>>, %arg3: memref<32x1x512xi32, #tpu.memory_space<hbm>>, %arg4: memref<32x1x512xi32, #tpu.memory_space<hbm>>, %arg5: memref<1000448xf32, #tpu.memory_space<hbm>>, %arg6: memref<1000xf32, #tpu.memory_space<hbm>>, %arg7: memref<16384xf32, #tpu.memory_space<hbm>>, %arg8: memref<1x512xi32, #tpu.memory_space<vmem>>, %arg9: memref<1x512xi32, #tpu.memory_space<vmem>>, %arg10: memref<1x512xi32, #tpu.memory_space<vmem>>, %arg11: memref<512xf32, #tpu.memory_space<vmem>>, %arg12: memref<512xf32, #tpu.memory_space<vmem>>, %arg13: memref<1000xf32, #tpu.memory_space<vmem>>, %arg14: memref<512xf32, #tpu.memory_space<vmem>>, %arg15: memref<!tpu.dma_semaphore, #tpu.memory_space<semaphore_mem>>, %arg16: memref<!tpu.dma_semaphore, #tpu.memory_space<semaphore_mem>>) attributes {dimension_semantics = [#tpu.dimension_semantics<core_parallel>, #tpu.dimension_semantics<subcore_parallel>], iteration_bounds = array<i64: 2, 16>, scalar_prefetch = 0 : i64, scratch_operands = 9 : i64, tpu.core_type = #tpu.core_type<sc_vector_subcore>, window_params = [{transform_indices = #map}, {transform_indices = #map}, {transform_indices = #map}, {transform_indices = #map1}, {transform_indices = #map1}, {transform_indices = #map1}]} {
    %mul3A = arith.constant 2 : i32
    %mul3A_0 = arith.muli %arg1, %mul3A : i32
    %add3A = arith.addi %mul3A_0, %arg0 : i32
    %dma_start3A = arith.constant 0 : i32
    %dma_start3A_1 = arith.constant 0 : i32
    %dma_start3A_2 = tpu.memref_slice %arg2[%add3A, %dma_start3A, %dma_start3A_1] : memref<32x1x512xi32, #tpu.memory_space<hbm>> -> memref<1x1x512xi32, #tpu.memory_space<hbm>>
    %dma_start3A_3 = tpu.memref_squeeze %dma_start3A_2 : memref<1x1x512xi32, #tpu.memory_space<hbm>> -> memref<1x512xi32, #tpu.memory_space<hbm>>
    %dma_start3A_4 = arith.constant 0 : i32
    %dma_start3A_5 = arith.constant 0 : i32
    %dma_start3A_6 = tpu.memref_slice %arg2[%add3A, %dma_start3A_4, %dma_start3A_5] : memref<32x1x512xi32, #tpu.memory_space<hbm>> -> memref<1x1x512xi32, #tpu.memory_space<hbm>>
    %dma_start3A_7 = tpu.memref_squeeze %dma_start3A_6 : memref<1x1x512xi32, #tpu.memory_space<hbm>> -> memref<1x512xi32, #tpu.memory_space<hbm>>
    tpu.enqueue_dma source(%dma_start3A_7 : memref<1x512xi32, #tpu.memory_space<hbm>>) target(%arg8 : memref<1x512xi32, #tpu.memory_space<vmem>>) target_semaphore(%arg15 : memref<!tpu.dma_semaphore, #tpu.memory_space<semaphore_mem>>)
    %dma_start3A_8 = arith.constant 0 : i32
    %dma_start3A_9 = arith.constant 0 : i32
    %dma_start3A_10 = tpu.memref_slice %arg3[%add3A, %dma_start3A_8, %dma_start3A_9] : memref<32x1x512xi32, #tpu.memory_space<hbm>> -> memref<1x1x512xi32, #tpu.memory_space<hbm>>
    %dma_start3A_11 = tpu.memref_squeeze %dma_start3A_10 : memref<1x1x512xi32, #tpu.memory_space<hbm>> -> memref<1x512xi32, #tpu.memory_space<hbm>>
    %dma_start3A_12 = arith.constant 0 : i32
    %dma_start3A_13 = arith.constant 0 : i32
    %dma_start3A_14 = tpu.memref_slice %arg3[%add3A, %dma_start3A_12, %dma_start3A_13] : memref<32x1x512xi32, #tpu.memory_space<hbm>> -> memref<1x1x512xi32, #tpu.memory_space<hbm>>
    %dma_start3A_15 = tpu.memref_squeeze %dma_start3A_14 : memref<1x1x512xi32, #tpu.memory_space<hbm>> -> memref<1x512xi32, #tpu.memory_space<hbm>>
    tpu.enqueue_dma source(%dma_start3A_15 : memref<1x512xi32, #tpu.memory_space<hbm>>) target(%arg9 : memref<1x512xi32, #tpu.memory_space<vmem>>) target_semaphore(%arg15 : memref<!tpu.dma_semaphore, #tpu.memory_space<semaphore_mem>>)
    %dma_start3A_16 = arith.constant 0 : i32
    %dma_start3A_17 = arith.constant 0 : i32
    %dma_start3A_18 = tpu.memref_slice %arg4[%add3A, %dma_start3A_16, %dma_start3A_17] : memref<32x1x512xi32, #tpu.memory_space<hbm>> -> memref<1x1x512xi32, #tpu.memory_space<hbm>>
    %dma_start3A_19 = tpu.memref_squeeze %dma_start3A_18 : memref<1x1x512xi32, #tpu.memory_space<hbm>> -> memref<1x512xi32, #tpu.memory_space<hbm>>
    %dma_start3A_20 = arith.constant 0 : i32
    %dma_start3A_21 = arith.constant 0 : i32
    %dma_start3A_22 = tpu.memref_slice %arg4[%add3A, %dma_start3A_20, %dma_start3A_21] : memref<32x1x512xi32, #tpu.memory_space<hbm>> -> memref<1x1x512xi32, #tpu.memory_space<hbm>>
    %dma_start3A_23 = tpu.memref_squeeze %dma_start3A_22 : memref<1x1x512xi32, #tpu.memory_space<hbm>> -> memref<1x512xi32, #tpu.memory_space<hbm>>
    tpu.enqueue_dma source(%dma_start3A_23 : memref<1x512xi32, #tpu.memory_space<hbm>>) target(%arg10 : memref<1x512xi32, #tpu.memory_space<vmem>>) target_semaphore(%arg15 : memref<!tpu.dma_semaphore, #tpu.memory_space<semaphore_mem>>)
    tpu.enqueue_dma source(%arg6 : memref<1000xf32, #tpu.memory_space<hbm>>) target(%arg13 : memref<1000xf32, #tpu.memory_space<vmem>>) target_semaphore(%arg15 : memref<!tpu.dma_semaphore, #tpu.memory_space<semaphore_mem>>)
    %dma_wait3A = arith.constant 0 : i32
    %dma_wait3A_24 = arith.constant 0 : i32
    %dma_wait3A_25 = tpu.memref_slice %arg2[%add3A, %dma_wait3A, %dma_wait3A_24] : memref<32x1x512xi32, #tpu.memory_space<hbm>> -> memref<1x1x512xi32, #tpu.memory_space<hbm>>
    %dma_wait3A_26 = tpu.memref_squeeze %dma_wait3A_25 : memref<1x1x512xi32, #tpu.memory_space<hbm>> -> memref<1x512xi32, #tpu.memory_space<hbm>>
    %dma_wait3A_27 = arith.constant 0 : i32
    %dma_wait3A_28 = arith.constant 0 : i32
    %dma_wait3A_29 = tpu.memref_slice %arg2[%add3A, %dma_wait3A_27, %dma_wait3A_28] : memref<32x1x512xi32, #tpu.memory_space<hbm>> -> memref<1x1x512xi32, #tpu.memory_space<hbm>>
    %dma_wait3A_30 = tpu.memref_squeeze %dma_wait3A_29 : memref<1x1x512xi32, #tpu.memory_space<hbm>> -> memref<1x512xi32, #tpu.memory_space<hbm>>
    tpu.wait_dma2 semaphore(%arg15 : memref<!tpu.dma_semaphore, #tpu.memory_space<semaphore_mem>>) src(%dma_wait3A_30 : memref<1x512xi32, #tpu.memory_space<hbm>>) dst(%arg8 : memref<1x512xi32, #tpu.memory_space<vmem>>)
    %dma_wait3A_31 = arith.constant 0 : i32
    %dma_wait3A_32 = arith.constant 0 : i32
    %dma_wait3A_33 = tpu.memref_slice %arg3[%add3A, %dma_wait3A_31, %dma_wait3A_32] : memref<32x1x512xi32, #tpu.memory_space<hbm>> -> memref<1x1x512xi32, #tpu.memory_space<hbm>>
    %dma_wait3A_34 = tpu.memref_squeeze %dma_wait3A_33 : memref<1x1x512xi32, #tpu.memory_space<hbm>> -> memref<1x512xi32, #tpu.memory_space<hbm>>
    %dma_wait3A_35 = arith.constant 0 : i32
    %dma_wait3A_36 = arith.constant 0 : i32
    %dma_wait3A_37 = tpu.memref_slice %arg3[%add3A, %dma_wait3A_35, %dma_wait3A_36] : memref<32x1x512xi32, #tpu.memory_space<hbm>> -> memref<1x1x512xi32, #tpu.memory_space<hbm>>
    %dma_wait3A_38 = tpu.memref_squeeze %dma_wait3A_37 : memref<1x1x512xi32, #tpu.memory_space<hbm>> -> memref<1x512xi32, #tpu.memory_space<hbm>>
    tpu.wait_dma2 semaphore(%arg15 : memref<!tpu.dma_semaphore, #tpu.memory_space<semaphore_mem>>) src(%dma_wait3A_38 : memref<1x512xi32, #tpu.memory_space<hbm>>) dst(%arg9 : memref<1x512xi32, #tpu.memory_space<vmem>>)
    %dma_start3A_39 = arith.constant 0 : i32
    %dma_start3A_40 = arith.constant 0 : i32
    %dma_start3A_41 = tpu.memref_slice %arg11[%dma_start3A_40] : memref<512xf32, #tpu.memory_space<vmem>> -> memref<256xf32, #tpu.memory_space<vmem>>
    %dma_start3A_42 = arith.constant 0 : i32
    %dma_start3A_43 = tpu.memref_slice %arg8[%dma_start3A_39, %dma_start3A_42] : memref<1x512xi32, #tpu.memory_space<vmem>> -> memref<1x512xi32, #tpu.memory_space<vmem>>
    %dma_start3A_44 = tpu.memref_squeeze %dma_start3A_43 : memref<1x512xi32, #tpu.memory_space<vmem>> -> memref<512xi32, #tpu.memory_space<vmem>>
    %dma_start3A_45 = arith.constant 0 : i32
    %dma_start3A_46 = tpu.memref_slice %dma_start3A_44[%dma_start3A_45] : memref<512xi32, #tpu.memory_space<vmem>> -> memref<256xi32, #tpu.memory_space<vmem>>
    %dma_start3A_47 = arith.constant 0 : i32
    %dma_start3A_48 = tpu.memref_slice %arg5[%dma_start3A_47] : memref<1000448xf32, #tpu.memory_space<hbm>> -> memref<1000448xf32, #tpu.memory_space<hbm>>
    tpu.enqueue_indirect_dma source(%dma_start3A_48 : memref<1000448xf32, #tpu.memory_space<hbm>>) target(%dma_start3A_41 : memref<256xf32, #tpu.memory_space<vmem>>) offsets(%dma_start3A_46 : memref<256xi32, #tpu.memory_space<vmem>>) semaphore(%arg16 : memref<!tpu.dma_semaphore, #tpu.memory_space<semaphore_mem>>)
    %dma_start3A_49 = arith.constant 0 : i32
    %dma_start3A_50 = arith.constant 0 : i32
    %dma_start3A_51 = tpu.memref_slice %arg12[%dma_start3A_50] : memref<512xf32, #tpu.memory_space<vmem>> -> memref<256xf32, #tpu.memory_space<vmem>>
    %dma_start3A_52 = arith.constant 0 : i32
    %dma_start3A_53 = tpu.memref_slice %arg9[%dma_start3A_49, %dma_start3A_52] : memref<1x512xi32, #tpu.memory_space<vmem>> -> memref<1x512xi32, #tpu.memory_space<vmem>>
    %dma_start3A_54 = tpu.memref_squeeze %dma_start3A_53 : memref<1x512xi32, #tpu.memory_space<vmem>> -> memref<512xi32, #tpu.memory_space<vmem>>
    %dma_start3A_55 = arith.constant 0 : i32
    %dma_start3A_56 = tpu.memref_slice %dma_start3A_54[%dma_start3A_55] : memref<512xi32, #tpu.memory_space<vmem>> -> memref<256xi32, #tpu.memory_space<vmem>>
    %dma_start3A_57 = arith.constant 0 : i32
    %dma_start3A_58 = tpu.memref_slice %arg5[%dma_start3A_57] : memref<1000448xf32, #tpu.memory_space<hbm>> -> memref<1000448xf32, #tpu.memory_space<hbm>>
    tpu.enqueue_indirect_dma source(%dma_start3A_58 : memref<1000448xf32, #tpu.memory_space<hbm>>) target(%dma_start3A_51 : memref<256xf32, #tpu.memory_space<vmem>>) offsets(%dma_start3A_56 : memref<256xi32, #tpu.memory_space<vmem>>) semaphore(%arg16 : memref<!tpu.dma_semaphore, #tpu.memory_space<semaphore_mem>>)
    %dma_start3A_59 = arith.constant 0 : i32
    %dma_start3A_60 = arith.constant 256 : i32
    %dma_start3A_61 = tpu.memref_slice %arg11[%dma_start3A_60] : memref<512xf32, #tpu.memory_space<vmem>> -> memref<256xf32, #tpu.memory_space<vmem>>
    %dma_start3A_62 = arith.constant 0 : i32
    %dma_start3A_63 = tpu.memref_slice %arg8[%dma_start3A_59, %dma_start3A_62] : memref<1x512xi32, #tpu.memory_space<vmem>> -> memref<1x512xi32, #tpu.memory_space<vmem>>
    %dma_start3A_64 = tpu.memref_squeeze %dma_start3A_63 : memref<1x512xi32, #tpu.memory_space<vmem>> -> memref<512xi32, #tpu.memory_space<vmem>>
    %dma_start3A_65 = arith.constant 256 : i32
    %dma_start3A_66 = tpu.memref_slice %dma_start3A_64[%dma_start3A_65] : memref<512xi32, #tpu.memory_space<vmem>> -> memref<256xi32, #tpu.memory_space<vmem>>
    %dma_start3A_67 = arith.constant 0 : i32
    %dma_start3A_68 = tpu.memref_slice %arg5[%dma_start3A_67] : memref<1000448xf32, #tpu.memory_space<hbm>> -> memref<1000448xf32, #tpu.memory_space<hbm>>
    tpu.enqueue_indirect_dma source(%dma_start3A_68 : memref<1000448xf32, #tpu.memory_space<hbm>>) target(%dma_start3A_61 : memref<256xf32, #tpu.memory_space<vmem>>) offsets(%dma_start3A_66 : memref<256xi32, #tpu.memory_space<vmem>>) semaphore(%arg16 : memref<!tpu.dma_semaphore, #tpu.memory_space<semaphore_mem>>)
    %dma_start3A_69 = arith.constant 0 : i32
    %dma_start3A_70 = arith.constant 256 : i32
    %dma_start3A_71 = tpu.memref_slice %arg12[%dma_start3A_70] : memref<512xf32, #tpu.memory_space<vmem>> -> memref<256xf32, #tpu.memory_space<vmem>>
    %dma_start3A_72 = arith.constant 0 : i32
    %dma_start3A_73 = tpu.memref_slice %arg9[%dma_start3A_69, %dma_start3A_72] : memref<1x512xi32, #tpu.memory_space<vmem>> -> memref<1x512xi32, #tpu.memory_space<vmem>>
    %dma_start3A_74 = tpu.memref_squeeze %dma_start3A_73 : memref<1x512xi32, #tpu.memory_space<vmem>> -> memref<512xi32, #tpu.memory_space<vmem>>
    %dma_start3A_75 = arith.constant 256 : i32
    %dma_start3A_76 = tpu.memref_slice %dma_start3A_74[%dma_start3A_75] : memref<512xi32, #tpu.memory_space<vmem>> -> memref<256xi32, #tpu.memory_space<vmem>>
    %dma_start3A_77 = arith.constant 0 : i32
    %dma_start3A_78 = tpu.memref_slice %arg5[%dma_start3A_77] : memref<1000448xf32, #tpu.memory_space<hbm>> -> memref<1000448xf32, #tpu.memory_space<hbm>>
    tpu.enqueue_indirect_dma source(%dma_start3A_78 : memref<1000448xf32, #tpu.memory_space<hbm>>) target(%dma_start3A_71 : memref<256xf32, #tpu.memory_space<vmem>>) offsets(%dma_start3A_76 : memref<256xi32, #tpu.memory_space<vmem>>) semaphore(%arg16 : memref<!tpu.dma_semaphore, #tpu.memory_space<semaphore_mem>>)
    %dma_wait3A_79 = arith.constant 0 : i32
    %dma_wait3A_80 = arith.constant 0 : i32
    %dma_wait3A_81 = tpu.memref_slice %arg4[%add3A, %dma_wait3A_79, %dma_wait3A_80] : memref<32x1x512xi32, #tpu.memory_space<hbm>> -> memref<1x1x512xi32, #tpu.memory_space<hbm>>
    %dma_wait3A_82 = tpu.memref_squeeze %dma_wait3A_81 : memref<1x1x512xi32, #tpu.memory_space<hbm>> -> memref<1x512xi32, #tpu.memory_space<hbm>>
    %dma_wait3A_83 = arith.constant 0 : i32
    %dma_wait3A_84 = arith.constant 0 : i32
    %dma_wait3A_85 = tpu.memref_slice %arg4[%add3A, %dma_wait3A_83, %dma_wait3A_84] : memref<32x1x512xi32, #tpu.memory_space<hbm>> -> memref<1x1x512xi32, #tpu.memory_space<hbm>>
    %dma_wait3A_86 = tpu.memref_squeeze %dma_wait3A_85 : memref<1x1x512xi32, #tpu.memory_space<hbm>> -> memref<1x512xi32, #tpu.memory_space<hbm>>
    tpu.wait_dma2 semaphore(%arg15 : memref<!tpu.dma_semaphore, #tpu.memory_space<semaphore_mem>>) src(%dma_wait3A_86 : memref<1x512xi32, #tpu.memory_space<hbm>>) dst(%arg10 : memref<1x512xi32, #tpu.memory_space<vmem>>)
    tpu.wait_dma2 semaphore(%arg15 : memref<!tpu.dma_semaphore, #tpu.memory_space<semaphore_mem>>) src(%arg6 : memref<1000xf32, #tpu.memory_space<hbm>>) dst(%arg13 : memref<1000xf32, #tpu.memory_space<vmem>>)
    %dma_wait3A_87 = arith.constant 0 : i32
    %dma_wait3A_88 = arith.constant 0 : i32
    %dma_wait3A_89 = tpu.memref_slice %arg11[%dma_wait3A_88] : memref<512xf32, #tpu.memory_space<vmem>> -> memref<256xf32, #tpu.memory_space<vmem>>
    %dma_wait3A_90 = arith.constant 0 : i32
    %dma_wait3A_91 = tpu.memref_slice %arg8[%dma_wait3A_87, %dma_wait3A_90] : memref<1x512xi32, #tpu.memory_space<vmem>> -> memref<1x512xi32, #tpu.memory_space<vmem>>
    %dma_wait3A_92 = tpu.memref_squeeze %dma_wait3A_91 : memref<1x512xi32, #tpu.memory_space<vmem>> -> memref<512xi32, #tpu.memory_space<vmem>>
    %dma_wait3A_93 = arith.constant 0 : i32
    %dma_wait3A_94 = tpu.memref_slice %dma_wait3A_92[%dma_wait3A_93] : memref<512xi32, #tpu.memory_space<vmem>> -> memref<256xi32, #tpu.memory_space<vmem>>
    %dma_wait3A_95 = arith.constant 0 : i32
    %dma_wait3A_96 = tpu.memref_slice %arg5[%dma_wait3A_95] : memref<1000448xf32, #tpu.memory_space<hbm>> -> memref<1000448xf32, #tpu.memory_space<hbm>>
    tpu.wait_indirect_dma semaphore(%arg16 : memref<!tpu.dma_semaphore, #tpu.memory_space<semaphore_mem>>) src(%dma_wait3A_96 : memref<1000448xf32, #tpu.memory_space<hbm>>) dst(%dma_wait3A_89 : memref<256xf32, #tpu.memory_space<vmem>>)
    %dma_wait3A_97 = arith.constant 0 : i32
    %dma_wait3A_98 = arith.constant 0 : i32
    %dma_wait3A_99 = tpu.memref_slice %arg12[%dma_wait3A_98] : memref<512xf32, #tpu.memory_space<vmem>> -> memref<256xf32, #tpu.memory_space<vmem>>
    %dma_wait3A_100 = arith.constant 0 : i32
    %dma_wait3A_101 = tpu.memref_slice %arg9[%dma_wait3A_97, %dma_wait3A_100] : memref<1x512xi32, #tpu.memory_space<vmem>> -> memref<1x512xi32, #tpu.memory_space<vmem>>
    %dma_wait3A_102 = tpu.memref_squeeze %dma_wait3A_101 : memref<1x512xi32, #tpu.memory_space<vmem>> -> memref<512xi32, #tpu.memory_space<vmem>>
    %dma_wait3A_103 = arith.constant 0 : i32
    %dma_wait3A_104 = tpu.memref_slice %dma_wait3A_102[%dma_wait3A_103] : memref<512xi32, #tpu.memory_space<vmem>> -> memref<256xi32, #tpu.memory_space<vmem>>
    %dma_wait3A_105 = arith.constant 0 : i32
    %dma_wait3A_106 = tpu.memref_slice %arg5[%dma_wait3A_105] : memref<1000448xf32, #tpu.memory_space<hbm>> -> memref<1000448xf32, #tpu.memory_space<hbm>>
    tpu.wait_indirect_dma semaphore(%arg16 : memref<!tpu.dma_semaphore, #tpu.memory_space<semaphore_mem>>) src(%dma_wait3A_106 : memref<1000448xf32, #tpu.memory_space<hbm>>) dst(%dma_wait3A_99 : memref<256xf32, #tpu.memory_space<vmem>>)
    %scan3A = arith.constant 0 : i32
    %scan3A_107 = arith.constant 0 : i32
    %scan3A_108 = arith.constant 16 : i32
    %scan3A_109 = arith.addi %scan3A_107, %scan3A_108 : i32
    %scan3A_110 = arith.constant 4 : i32
    scf.for %scan3A_140 = %scan3A_107 to %scan3A_109 step %scan3A_110  : i32 {
      %mul3A_141 = arith.constant 1 : i32
      %mul3A_142 = arith.muli %scan3A_140, %mul3A_141 : i32
      %add3A_143 = arith.constant 0 : i32
      %add3A_144 = arith.addi %add3A_143, %mul3A_142 : i32
      %mul3A_145 = arith.constant 16 : i32
      %mul3A_146 = arith.muli %add3A_144, %mul3A_145 : i32
      %add3A_147 = arith.constant 0 : i32
      %add3A_148 = arith.addi %add3A_147, %mul3A_146 : i32
      %get3A = arith.constant 0 : i32
      %get3A_149 = tpu.memref_slice %arg10[%scan3A, %get3A] : memref<1x512xi32, #tpu.memory_space<vmem>> -> memref<1x512xi32, #tpu.memory_space<vmem>>
      %get3A_150 = tpu.memref_squeeze %get3A_149 : memref<1x512xi32, #tpu.memory_space<vmem>> -> memref<512xi32, #tpu.memory_space<vmem>>
      %get3A_151 = arith.index_cast %add3A_148 : i32 to index
      %get3A_152 = tpu.vector_load %get3A_150[%get3A_151] {strides = array<i32>} : memref<512xi32, #tpu.memory_space<vmem>>, vector<16xi32>,
      %gather3A = tpu.vector_load_idx %arg13[%get3A_152] : memref<1000xf32, #tpu.memory_space<vmem>>[vector<16xi32>], vector<16xf32>,
      %get3A_153 = arith.index_cast %add3A_148 : i32 to index
      %get3A_154 = tpu.vector_load %arg11[%get3A_153] {strides = array<i32>} : memref<512xf32, #tpu.memory_space<vmem>>, vector<16xf32>,
      %get3A_155 = arith.index_cast %add3A_148 : i32 to index
      %get3A_156 = tpu.vector_load %arg12[%get3A_155] {strides = array<i32>} : memref<512xf32, #tpu.memory_space<vmem>>, vector<16xf32>,
      %sub3A = arith.subf %get3A_154, %get3A_156 : vector<16xf32>
      %mul3A_157 = arith.mulf %gather3A, %sub3A : vector<16xf32>
      %swap3A = arith.index_cast %add3A_148 : i32 to index
      %swap3A_158 = tpu.vector_load %arg14[%swap3A] {strides = array<i32>} : memref<512xf32, #tpu.memory_space<vmem>>, vector<16xf32>,
      tpu.vector_store %arg14[%swap3A], %mul3A_157 {strides = array<i32>} : memref<512xf32, #tpu.memory_space<vmem>>, vector<16xf32>,
      %scan3A_159 = arith.constant 1 : i32
      %scan3A_160 = arith.addi %scan3A_140, %scan3A_159 : i32
      %mul3A_161 = arith.constant 1 : i32
      %mul3A_162 = arith.muli %scan3A_160, %mul3A_161 : i32
      %add3A_163 = arith.constant 0 : i32
      %add3A_164 = arith.addi %add3A_163, %mul3A_162 : i32
      %mul3A_165 = arith.constant 16 : i32
      %mul3A_166 = arith.muli %add3A_164, %mul3A_165 : i32
      %add3A_167 = arith.constant 0 : i32
      %add3A_168 = arith.addi %add3A_167, %mul3A_166 : i32
      %get3A_169 = arith.constant 0 : i32
      %get3A_170 = tpu.memref_slice %arg10[%scan3A, %get3A_169] : memref<1x512xi32, #tpu.memory_space<vmem>> -> memref<1x512xi32, #tpu.memory_space<vmem>>
      %get3A_171 = tpu.memref_squeeze %get3A_170 : memref<1x512xi32, #tpu.memory_space<vmem>> -> memref<512xi32, #tpu.memory_space<vmem>>
      %get3A_172 = arith.index_cast %add3A_168 : i32 to index
      %get3A_173 = tpu.vector_load %get3A_171[%get3A_172] {strides = array<i32>} : memref<512xi32, #tpu.memory_space<vmem>>, vector<16xi32>,
      %gather3A_174 = tpu.vector_load_idx %arg13[%get3A_173] : memref<1000xf32, #tpu.memory_space<vmem>>[vector<16xi32>], vector<16xf32>,
      %get3A_175 = arith.index_cast %add3A_168 : i32 to index
      %get3A_176 = tpu.vector_load %arg11[%get3A_175] {strides = array<i32>} : memref<512xf32, #tpu.memory_space<vmem>>, vector<16xf32>,
      %get3A_177 = arith.index_cast %add3A_168 : i32 to index
      %get3A_178 = tpu.vector_load %arg12[%get3A_177] {strides = array<i32>} : memref<512xf32, #tpu.memory_space<vmem>>, vector<16xf32>,
      %sub3A_179 = arith.subf %get3A_176, %get3A_178 : vector<16xf32>
      %mul3A_180 = arith.mulf %gather3A_174, %sub3A_179 : vector<16xf32>
      %swap3A_181 = arith.index_cast %add3A_168 : i32 to index
      %swap3A_182 = tpu.vector_load %arg14[%swap3A_181] {strides = array<i32>} : memref<512xf32, #tpu.memory_space<vmem>>, vector<16xf32>,
      tpu.vector_store %arg14[%swap3A_181], %mul3A_180 {strides = array<i32>} : memref<512xf32, #tpu.memory_space<vmem>>, vector<16xf32>,
      %scan3A_183 = arith.constant 2 : i32
      %scan3A_184 = arith.addi %scan3A_140, %scan3A_183 : i32
      %mul3A_185 = arith.constant 1 : i32
      %mul3A_186 = arith.muli %scan3A_184, %mul3A_185 : i32
      %add3A_187 = arith.constant 0 : i32
      %add3A_188 = arith.addi %add3A_187, %mul3A_186 : i32
      %mul3A_189 = arith.constant 16 : i32
      %mul3A_190 = arith.muli %add3A_188, %mul3A_189 : i32
      %add3A_191 = arith.constant 0 : i32
      %add3A_192 = arith.addi %add3A_191, %mul3A_190 : i32
      %get3A_193 = arith.constant 0 : i32
      %get3A_194 = tpu.memref_slice %arg10[%scan3A, %get3A_193] : memref<1x512xi32, #tpu.memory_space<vmem>> -> memref<1x512xi32, #tpu.memory_space<vmem>>
      %get3A_195 = tpu.memref_squeeze %get3A_194 : memref<1x512xi32, #tpu.memory_space<vmem>> -> memref<512xi32, #tpu.memory_space<vmem>>
      %get3A_196 = arith.index_cast %add3A_192 : i32 to index
      %get3A_197 = tpu.vector_load %get3A_195[%get3A_196] {strides = array<i32>} : memref<512xi32, #tpu.memory_space<vmem>>, vector<16xi32>,
      %gather3A_198 = tpu.vector_load_idx %arg13[%get3A_197] : memref<1000xf32, #tpu.memory_space<vmem>>[vector<16xi32>], vector<16xf32>,
      %get3A_199 = arith.index_cast %add3A_192 : i32 to index
      %get3A_200 = tpu.vector_load %arg11[%get3A_199] {strides = array<i32>} : memref<512xf32, #tpu.memory_space<vmem>>, vector<16xf32>,
      %get3A_201 = arith.index_cast %add3A_192 : i32 to index
      %get3A_202 = tpu.vector_load %arg12[%get3A_201] {strides = array<i32>} : memref<512xf32, #tpu.memory_space<vmem>>, vector<16xf32>,
      %sub3A_203 = arith.subf %get3A_200, %get3A_202 : vector<16xf32>
      %mul3A_204 = arith.mulf %gather3A_198, %sub3A_203 : vector<16xf32>
      %swap3A_205 = arith.index_cast %add3A_192 : i32 to index
      %swap3A_206 = tpu.vector_load %arg14[%swap3A_205] {strides = array<i32>} : memref<512xf32, #tpu.memory_space<vmem>>, vector<16xf32>,
      tpu.vector_store %arg14[%swap3A_205], %mul3A_204 {strides = array<i32>} : memref<512xf32, #tpu.memory_space<vmem>>, vector<16xf32>,
      %scan3A_207 = arith.constant 3 : i32
      %scan3A_208 = arith.addi %scan3A_140, %scan3A_207 : i32
      %mul3A_209 = arith.constant 1 : i32
      %mul3A_210 = arith.muli %scan3A_208, %mul3A_209 : i32
      %add3A_211 = arith.constant 0 : i32
      %add3A_212 = arith.addi %add3A_211, %mul3A_210 : i32
      %mul3A_213 = arith.constant 16 : i32
      %mul3A_214 = arith.muli %add3A_212, %mul3A_213 : i32
      %add3A_215 = arith.constant 0 : i32
      %add3A_216 = arith.addi %add3A_215, %mul3A_214 : i32
      %get3A_217 = arith.constant 0 : i32
      %get3A_218 = tpu.memref_slice %arg10[%scan3A, %get3A_217] : memref<1x512xi32, #tpu.memory_space<vmem>> -> memref<1x512xi32, #tpu.memory_space<vmem>>
      %get3A_219 = tpu.memref_squeeze %get3A_218 : memref<1x512xi32, #tpu.memory_space<vmem>> -> memref<512xi32, #tpu.memory_space<vmem>>
      %get3A_220 = arith.index_cast %add3A_216 : i32 to index
      %get3A_221 = tpu.vector_load %get3A_219[%get3A_220] {strides = array<i32>} : memref<512xi32, #tpu.memory_space<vmem>>, vector<16xi32>,
      %gather3A_222 = tpu.vector_load_idx %arg13[%get3A_221] : memref<1000xf32, #tpu.memory_space<vmem>>[vector<16xi32>], vector<16xf32>,
      %get3A_223 = arith.index_cast %add3A_216 : i32 to index
      %get3A_224 = tpu.vector_load %arg11[%get3A_223] {strides = array<i32>} : memref<512xf32, #tpu.memory_space<vmem>>, vector<16xf32>,
      %get3A_225 = arith.index_cast %add3A_216 : i32 to index
      %get3A_226 = tpu.vector_load %arg12[%get3A_225] {strides = array<i32>} : memref<512xf32, #tpu.memory_space<vmem>>, vector<16xf32>,
      %sub3A_227 = arith.subf %get3A_224, %get3A_226 : vector<16xf32>
      %mul3A_228 = arith.mulf %gather3A_222, %sub3A_227 : vector<16xf32>
      %swap3A_229 = arith.index_cast %add3A_216 : i32 to index
      %swap3A_230 = tpu.vector_load %arg14[%swap3A_229] {strides = array<i32>} : memref<512xf32, #tpu.memory_space<vmem>>, vector<16xf32>,
      tpu.vector_store %arg14[%swap3A_229], %mul3A_228 {strides = array<i32>} : memref<512xf32, #tpu.memory_space<vmem>>, vector<16xf32>,
    }
    %scan3A_111 = arith.constant 16 : i32
    %dma_wait3A_112 = arith.constant 0 : i32
    %dma_wait3A_113 = arith.constant 256 : i32
    %dma_wait3A_114 = tpu.memref_slice %arg11[%dma_wait3A_113] : memref<512xf32, #tpu.memory_space<vmem>> -> memref<256xf32, #tpu.memory_space<vmem>>
    %dma_wait3A_115 = arith.constant 0 : i32
    %dma_wait3A_116 = tpu.memref_slice %arg8[%dma_wait3A_112, %dma_wait3A_115] : memref<1x512xi32, #tpu.memory_space<vmem>> -> memref<1x512xi32, #tpu.memory_space<vmem>>
    %dma_wait3A_117 = tpu.memref_squeeze %dma_wait3A_116 : memref<1x512xi32, #tpu.memory_space<vmem>> -> memref<512xi32, #tpu.memory_space<vmem>>
    %dma_wait3A_118 = arith.constant 256 : i32
    %dma_wait3A_119 = tpu.memref_slice %dma_wait3A_117[%dma_wait3A_118] : memref<512xi32, #tpu.memory_space<vmem>> -> memref<256xi32, #tpu.memory_space<vmem>>
    %dma_wait3A_120 = arith.constant 0 : i32
    %dma_wait3A_121 = tpu.memref_slice %arg5[%dma_wait3A_120] : memref<1000448xf32, #tpu.memory_space<hbm>> -> memref<1000448xf32, #tpu.memory_space<hbm>>
    tpu.wait_indirect_dma semaphore(%arg16 : memref<!tpu.dma_semaphore, #tpu.memory_space<semaphore_mem>>) src(%dma_wait3A_121 : memref<1000448xf32, #tpu.memory_space<hbm>>) dst(%dma_wait3A_114 : memref<256xf32, #tpu.memory_space<vmem>>)
    %dma_wait3A_122 = arith.constant 0 : i32
    %dma_wait3A_123 = arith.constant 256 : i32
    %dma_wait3A_124 = tpu.memref_slice %arg12[%dma_wait3A_123] : memref<512xf32, #tpu.memory_space<vmem>> -> memref<256xf32, #tpu.memory_space<vmem>>
    %dma_wait3A_125 = arith.constant 0 : i32
    %dma_wait3A_126 = tpu.memref_slice %arg9[%dma_wait3A_122, %dma_wait3A_125] : memref<1x512xi32, #tpu.memory_space<vmem>> -> memref<1x512xi32, #tpu.memory_space<vmem>>
    %dma_wait3A_127 = tpu.memref_squeeze %dma_wait3A_126 : memref<1x512xi32, #tpu.memory_space<vmem>> -> memref<512xi32, #tpu.memory_space<vmem>>
    %dma_wait3A_128 = arith.constant 256 : i32
    %dma_wait3A_129 = tpu.memref_slice %dma_wait3A_127[%dma_wait3A_128] : memref<512xi32, #tpu.memory_space<vmem>> -> memref<256xi32, #tpu.memory_space<vmem>>
    %dma_wait3A_130 = arith.constant 0 : i32
    %dma_wait3A_131 = tpu.memref_slice %arg5[%dma_wait3A_130] : memref<1000448xf32, #tpu.memory_space<hbm>> -> memref<1000448xf32, #tpu.memory_space<hbm>>
    tpu.wait_indirect_dma semaphore(%arg16 : memref<!tpu.dma_semaphore, #tpu.memory_space<semaphore_mem>>) src(%dma_wait3A_131 : memref<1000448xf32, #tpu.memory_space<hbm>>) dst(%dma_wait3A_124 : memref<256xf32, #tpu.memory_space<vmem>>)
    %scan3A_132 = arith.constant 0 : i32
    %scan3A_133 = arith.constant 0 : i32
    %scan3A_134 = arith.constant 16 : i32
    %scan3A_135 = arith.addi %scan3A_133, %scan3A_134 : i32
    %scan3A_136 = arith.constant 4 : i32
    scf.for %scan3A_140 = %scan3A_133 to %scan3A_135 step %scan3A_136  : i32 {
      %mul3A_141 = arith.constant 1 : i32
      %mul3A_142 = arith.muli %scan3A_140, %mul3A_141 : i32
      %add3A_143 = arith.constant 0 : i32
      %add3A_144 = arith.addi %add3A_143, %mul3A_142 : i32
      %mul3A_145 = arith.constant 16 : i32
      %mul3A_146 = arith.muli %add3A_144, %mul3A_145 : i32
      %add3A_147 = arith.constant 256 : i32
      %add3A_148 = arith.addi %add3A_147, %mul3A_146 : i32
      %get3A = arith.constant 0 : i32
      %get3A_149 = tpu.memref_slice %arg10[%scan3A_132, %get3A] : memref<1x512xi32, #tpu.memory_space<vmem>> -> memref<1x512xi32, #tpu.memory_space<vmem>>
      %get3A_150 = tpu.memref_squeeze %get3A_149 : memref<1x512xi32, #tpu.memory_space<vmem>> -> memref<512xi32, #tpu.memory_space<vmem>>
      %get3A_151 = arith.index_cast %add3A_148 : i32 to index
      %get3A_152 = tpu.vector_load %get3A_150[%get3A_151] {strides = array<i32>} : memref<512xi32, #tpu.memory_space<vmem>>, vector<16xi32>,
      %gather3A = tpu.vector_load_idx %arg13[%get3A_152] : memref<1000xf32, #tpu.memory_space<vmem>>[vector<16xi32>], vector<16xf32>,
      %get3A_153 = arith.index_cast %add3A_148 : i32 to index
      %get3A_154 = tpu.vector_load %arg11[%get3A_153] {strides = array<i32>} : memref<512xf32, #tpu.memory_space<vmem>>, vector<16xf32>,
      %get3A_155 = arith.index_cast %add3A_148 : i32 to index
      %get3A_156 = tpu.vector_load %arg12[%get3A_155] {strides = array<i32>} : memref<512xf32, #tpu.memory_space<vmem>>, vector<16xf32>,
      %sub3A = arith.subf %get3A_154, %get3A_156 : vector<16xf32>
      %mul3A_157 = arith.mulf %gather3A, %sub3A : vector<16xf32>
      %swap3A = arith.index_cast %add3A_148 : i32 to index
      %swap3A_158 = tpu.vector_load %arg14[%swap3A] {strides = array<i32>} : memref<512xf32, #tpu.memory_space<vmem>>, vector<16xf32>,
      tpu.vector_store %arg14[%swap3A], %mul3A_157 {strides = array<i32>} : memref<512xf32, #tpu.memory_space<vmem>>, vector<16xf32>,
      %scan3A_159 = arith.constant 1 : i32
      %scan3A_160 = arith.addi %scan3A_140, %scan3A_159 : i32
      %mul3A_161 = arith.constant 1 : i32
      %mul3A_162 = arith.muli %scan3A_160, %mul3A_161 : i32
      %add3A_163 = arith.constant 0 : i32
      %add3A_164 = arith.addi %add3A_163, %mul3A_162 : i32
      %mul3A_165 = arith.constant 16 : i32
      %mul3A_166 = arith.muli %add3A_164, %mul3A_165 : i32
      %add3A_167 = arith.constant 256 : i32
      %add3A_168 = arith.addi %add3A_167, %mul3A_166 : i32
      %get3A_169 = arith.constant 0 : i32
      %get3A_170 = tpu.memref_slice %arg10[%scan3A_132, %get3A_169] : memref<1x512xi32, #tpu.memory_space<vmem>> -> memref<1x512xi32, #tpu.memory_space<vmem>>
      %get3A_171 = tpu.memref_squeeze %get3A_170 : memref<1x512xi32, #tpu.memory_space<vmem>> -> memref<512xi32, #tpu.memory_space<vmem>>
      %get3A_172 = arith.index_cast %add3A_168 : i32 to index
      %get3A_173 = tpu.vector_load %get3A_171[%get3A_172] {strides = array<i32>} : memref<512xi32, #tpu.memory_space<vmem>>, vector<16xi32>,
      %gather3A_174 = tpu.vector_load_idx %arg13[%get3A_173] : memref<1000xf32, #tpu.memory_space<vmem>>[vector<16xi32>], vector<16xf32>,
      %get3A_175 = arith.index_cast %add3A_168 : i32 to index
      %get3A_176 = tpu.vector_load %arg11[%get3A_175] {strides = array<i32>} : memref<512xf32, #tpu.memory_space<vmem>>, vector<16xf32>,
      %get3A_177 = arith.index_cast %add3A_168 : i32 to index
      %get3A_178 = tpu.vector_load %arg12[%get3A_177] {strides = array<i32>} : memref<512xf32, #tpu.memory_space<vmem>>, vector<16xf32>,
      %sub3A_179 = arith.subf %get3A_176, %get3A_178 : vector<16xf32>
      %mul3A_180 = arith.mulf %gather3A_174, %sub3A_179 : vector<16xf32>
      %swap3A_181 = arith.index_cast %add3A_168 : i32 to index
      %swap3A_182 = tpu.vector_load %arg14[%swap3A_181] {strides = array<i32>} : memref<512xf32, #tpu.memory_space<vmem>>, vector<16xf32>,
      tpu.vector_store %arg14[%swap3A_181], %mul3A_180 {strides = array<i32>} : memref<512xf32, #tpu.memory_space<vmem>>, vector<16xf32>,
      %scan3A_183 = arith.constant 2 : i32
      %scan3A_184 = arith.addi %scan3A_140, %scan3A_183 : i32
      %mul3A_185 = arith.constant 1 : i32
      %mul3A_186 = arith.muli %scan3A_184, %mul3A_185 : i32
      %add3A_187 = arith.constant 0 : i32
      %add3A_188 = arith.addi %add3A_187, %mul3A_186 : i32
      %mul3A_189 = arith.constant 16 : i32
      %mul3A_190 = arith.muli %add3A_188, %mul3A_189 : i32
      %add3A_191 = arith.constant 256 : i32
      %add3A_192 = arith.addi %add3A_191, %mul3A_190 : i32
      %get3A_193 = arith.constant 0 : i32
      %get3A_194 = tpu.memref_slice %arg10[%scan3A_132, %get3A_193] : memref<1x512xi32, #tpu.memory_space<vmem>> -> memref<1x512xi32, #tpu.memory_space<vmem>>
      %get3A_195 = tpu.memref_squeeze %get3A_194 : memref<1x512xi32, #tpu.memory_space<vmem>> -> memref<512xi32, #tpu.memory_space<vmem>>
      %get3A_196 = arith.index_cast %add3A_192 : i32 to index
      %get3A_197 = tpu.vector_load %get3A_195[%get3A_196] {strides = array<i32>} : memref<512xi32, #tpu.memory_space<vmem>>, vector<16xi32>,
      %gather3A_198 = tpu.vector_load_idx %arg13[%get3A_197] : memref<1000xf32, #tpu.memory_space<vmem>>[vector<16xi32>], vector<16xf32>,
      %get3A_199 = arith.index_cast %add3A_192 : i32 to index
      %get3A_200 = tpu.vector_load %arg11[%get3A_199] {strides = array<i32>} : memref<512xf32, #tpu.memory_space<vmem>>, vector<16xf32>,
      %get3A_201 = arith.index_cast %add3A_192 : i32 to index
      %get3A_202 = tpu.vector_load %arg12[%get3A_201] {strides = array<i32>} : memref<512xf32, #tpu.memory_space<vmem>>, vector<16xf32>,
      %sub3A_203 = arith.subf %get3A_200, %get3A_202 : vector<16xf32>
      %mul3A_204 = arith.mulf %gather3A_198, %sub3A_203 : vector<16xf32>
      %swap3A_205 = arith.index_cast %add3A_192 : i32 to index
      %swap3A_206 = tpu.vector_load %arg14[%swap3A_205] {strides = array<i32>} : memref<512xf32, #tpu.memory_space<vmem>>, vector<16xf32>,
      tpu.vector_store %arg14[%swap3A_205], %mul3A_204 {strides = array<i32>} : memref<512xf32, #tpu.memory_space<vmem>>, vector<16xf32>,
      %scan3A_207 = arith.constant 3 : i32
      %scan3A_208 = arith.addi %scan3A_140, %scan3A_207 : i32
      %mul3A_209 = arith.constant 1 : i32
      %mul3A_210 = arith.muli %scan3A_208, %mul3A_209 : i32
      %add3A_211 = arith.constant 0 : i32
      %add3A_212 = arith.addi %add3A_211, %mul3A_210 : i32
      %mul3A_213 = arith.constant 16 : i32
      %mul3A_214 = arith.muli %add3A_212, %mul3A_213 : i32
      %add3A_215 = arith.constant 256 : i32
      %add3A_216 = arith.addi %add3A_215, %mul3A_214 : i32
      %get3A_217 = arith.constant 0 : i32
      %get3A_218 = tpu.memref_slice %arg10[%scan3A_132, %get3A_217] : memref<1x512xi32, #tpu.memory_space<vmem>> -> memref<1x512xi32, #tpu.memory_space<vmem>>
      %get3A_219 = tpu.memref_squeeze %get3A_218 : memref<1x512xi32, #tpu.memory_space<vmem>> -> memref<512xi32, #tpu.memory_space<vmem>>
      %get3A_220 = arith.index_cast %add3A_216 : i32 to index
      %get3A_221 = tpu.vector_load %get3A_219[%get3A_220] {strides = array<i32>} : memref<512xi32, #tpu.memory_space<vmem>>, vector<16xi32>,
      %gather3A_222 = tpu.vector_load_idx %arg13[%get3A_221] : memref<1000xf32, #tpu.memory_space<vmem>>[vector<16xi32>], vector<16xf32>,
      %get3A_223 = arith.index_cast %add3A_216 : i32 to index
      %get3A_224 = tpu.vector_load %arg11[%get3A_223] {strides = array<i32>} : memref<512xf32, #tpu.memory_space<vmem>>, vector<16xf32>,
      %get3A_225 = arith.index_cast %add3A_216 : i32 to index
      %get3A_226 = tpu.vector_load %arg12[%get3A_225] {strides = array<i32>} : memref<512xf32, #tpu.memory_space<vmem>>, vector<16xf32>,
      %sub3A_227 = arith.subf %get3A_224, %get3A_226 : vector<16xf32>
      %mul3A_228 = arith.mulf %gather3A_222, %sub3A_227 : vector<16xf32>
      %swap3A_229 = arith.index_cast %add3A_216 : i32 to index
      %swap3A_230 = tpu.vector_load %arg14[%swap3A_229] {strides = array<i32>} : memref<512xf32, #tpu.memory_space<vmem>>, vector<16xf32>,
      tpu.vector_store %arg14[%swap3A_229], %mul3A_228 {strides = array<i32>} : memref<512xf32, #tpu.memory_space<vmem>>, vector<16xf32>,
    }
    %scan3A_137 = arith.constant 16 : i32
    %mul3A_138 = arith.constant 512 : i32
    %mul3A_139 = arith.muli %add3A, %mul3A_138 : i32
    "tpu.region"() ({
      %run_scoped3A = tpu.sem_alloc : memref<!tpu.dma_semaphore, #tpu.memory_space<semaphore_mem>>
      %dma_start3A_140 = tpu.memref_slice %arg7[%mul3A_139] : memref<16384xf32, #tpu.memory_space<hbm>> -> memref<512xf32, #tpu.memory_space<hbm>>
      %dma_start3A_141 = tpu.memref_slice %arg7[%mul3A_139] : memref<16384xf32, #tpu.memory_space<hbm>> -> memref<512xf32, #tpu.memory_space<hbm>>
      tpu.enqueue_dma source(%arg14 : memref<512xf32, #tpu.memory_space<vmem>>) target(%dma_start3A_141 : memref<512xf32, #tpu.memory_space<hbm>>) target_semaphore(%run_scoped3A : memref<!tpu.dma_semaphore, #tpu.memory_space<semaphore_mem>>)
      %dma_wait3A_142 = tpu.memref_slice %arg7[%mul3A_139] : memref<16384xf32, #tpu.memory_space<hbm>> -> memref<512xf32, #tpu.memory_space<hbm>>
      %dma_wait3A_143 = tpu.memref_slice %arg7[%mul3A_139] : memref<16384xf32, #tpu.memory_space<hbm>> -> memref<512xf32, #tpu.memory_space<hbm>>
      tpu.wait_dma2 semaphore(%run_scoped3A : memref<!tpu.dma_semaphore, #tpu.memory_space<semaphore_mem>>) src(%arg14 : memref<512xf32, #tpu.memory_space<vmem>>) dst(%dma_wait3A_143 : memref<512xf32, #tpu.memory_space<hbm>>)
      tpu.yield
    }) : () -> ()
    return
  }
}

</mosaic_0001>

<sc_bundles>
// kernel: kernel.3.cloned.1.call-start
scs
__scs_entry_jumppad:
0x0: {  	(pc) =	sbr.rel $0x88, $3  }
0x1: {  	(tag) =	ssettag $0x0;
	lr =	simm.s32 $0x1  }
0x2: {  	[smem:$0x3F9C] =	sst lr;
	_ =	strace $0xD0000000  }
0x3: {  	_ = 	snop  }
0x4: {  	_ = 	snop  }
0x5: {  	_ = 	snop  }
0x6: {  	_ = 	snop  }
0x7: {  	_ = 	snop  }
__scs_overlays_trampoline_lowered:
0x8: {  	[smem:$0x3FAB] =	sst s0  }
0x9: {  	[smem:$0x3FAC] =	sst s1  }
0xa: {  	[smem:$0x3FAD] =	sst s2  }
0xb: {  	[smem:$0x3FAE] =	sst s3  }
0xc: {  	[smem:$0x3FAF] =	sst s4  }
0xd: {  	[smem:$0x3FB0] =	sst s5  }
0xe: {  	[smem:$0x3FB1] =	sst s6  }
0xf: {  	[smem:$0x3FB2] =	sst s7  }
0x10: {  	[smem:$0x3FB3] =	sst s8  }
0x11: {  	[smem:$0x3FB4] =	sst s9;
	s0 =	simm.s32 @!p0 $0x0  }
0x12: {  	s1 =	sld [smem:$0x3F9A];
	s0 =	simm.s32 @p0 $0x1  }
0x13: {  	[smem:$0x3FB5] =	sst s0;
	s0 =	simm.s32 @!p1 $0x0  }
0x14: {  	s2 =	sld [smem:$0x3F99];
	s0 =	simm.s32 @p1 $0x1  }
0x15: {  	[smem:$0x3FB6] =	sst s0;
	s0 =	simm.s32 @!p2 $0x0  }
0x16: {  	s3 =	sld [smem:$0x3FDB];
	s0 =	simm.s32 @p2 $0x1  }
0x17: {  	s4 =	simm.s32 $0x1BF5;
	[smem:$0x3FB8] =	sst s0  }
0x18: {  	s0 =	sld [smem:$0x3F9B];
	_ =	swait.ge [sflag:s4], $0x0  }
0x19: {  	s7 =	sld [smem:$0x3F9C]  }
0x1a: {  	s8 =	sadd.s32 $0xFFFFE003, lr  }
0x1b: {  	s9 =	sadd.s32 $0xFFFFFEF7, lr;
	s5 =	simm.s32 $0xFFFFFFFF;
	p2 =	slt.u32 s8, $0xFFFFF086  }
0x1c: {  	p1 =	slt.u32 s9, $0xF7A;
	s5 =	simm.s32 @!p2 $0x0  }
0x1d: {  	s5 =	simm.s32 @p1 $0x1;
	p0 =	seq.s32 s7, s2  }
0x1e: {  	s7 =	smul.u32 @!p0 $0xF7A, s2;
	p2 =	seq.s32 @!p0 s5, $0x0  }
0x1f: {  	s9 =	smul.u32 $0xF7A, s1;
	s8 =	simm.s32 @!p0 $0x1BF5;
	p2 =	por !p2, p0  }
0x20: {  	[sflag:s8] =	ssyncset.s32 @!p0 $0xFFFFF086;
	s6 =	sadd.s32 @!p0 s3, s7;
	s7 =	simm.s32 @!p0 $0x108  }
0x21: {  	s3 =	sadd.s32 s3, s9;
	s6 =	sadd.s32 @!p0 $0x88, s6;
	s7 =	simm.s32 @p2 $0x1082  }
0x22: {  	[simem:s7], [sflag:s8] =	dma.local @!p0 [hbm:s6], $0xF7A  }
0x23: {  	s9 =	sor.u32 $0xD0000000, s2;
	s6 =	simm.s32 $0x108;
	_ =	swait.ge @!p0 [sflag:s8], $0x0  }
0x24: {  	s3 =	sadd.s32 $0x88, s3;
	s6 =	simm.s32 @!p1 $0x1082;
	[sflag:s4] =	ssyncset.s32 $0xFFFFF086  }
0x25: {  	[simem:s6], [sflag:s4] =	dma.local [hbm:s3], $0xF7A  }
0x26: {  	[smem:$0x3F9C] =	sst s1;
	(tag) =	ssettag s2;
	_ =	strace s9  }
0x27: {  	s1 =	sld [smem:$0x3FAC]  }
0x28: {  	s2 =	sld [smem:$0x3FAD]  }
0x29: {  	s4 =	sld [smem:$0x3FAF]  }
0x2a: {  	p0 =	seq.s32 s5, $0x0;
	s5 =	sld [smem:$0x3FB0]  }
0x2b: {  	s6 =	sld [smem:$0x3FB1]  }
0x2c: {  	s7 =	sld [smem:$0x3FB2]  }
0x2d: {  	s3 =	simm.s32 $0x108;
	s8 =	sld [smem:$0x3FB3]  }
0x2e: {  	s3 =	simm.s32 @!p0 $0x1082;
	s9 =	sld [smem:$0x3FB4]  }
0x2f: {  	lr =	sadd.s32 s0, s3;
	s0 =	sld [smem:$0x3FAB]  }
0x30: {  	s3 =	sld [smem:$0x3FAE]  }
0x31: {  	[smem:$0x3FB7] =	sst s10  }
0x32: {  	s10 =	sld [smem:$0x3FB5];
	_ =	sdelay $0x3  }
0x33: {  	p0 =	seq.s32 s10, $0x1;
	s10 =	sld [smem:$0x3FB7];
	_ =	sdelay $0x3  }
0x34: {  	[smem:$0x3FB7] =	sst s10  }
0x35: {  	s10 =	sld [smem:$0x3FB6];
	_ =	sdelay $0x3  }
0x36: {  	p1 =	seq.s32 s10, $0x1;
	s10 =	sld [smem:$0x3FB7];
	_ =	sdelay $0x3  }
0x37: {  	[smem:$0x3FB7] =	sst s10  }
0x38: {  	s10 =	sld [smem:$0x3FB8]  }
0x39: {  	_ = 	snop;
	(pc) =	sbr.ind lr, $3  }
0x3a: {  	_ = 	snop  }
0x3b: {  	_ = 	snop  }
0x3c: {  	p2 =	seq.s32 s10, $0x1;
	s10 =	sld [smem:$0x3FB7]  }
0x3d: {  	_ =	shalt  }
0x3e: {  	_ =	shalt  }
0x3f: {  	_ =	shalt  }
0x40: {  	_ =	shalt  }
0x41: {  	_ =	shalt  }
0x42: {  	_ =	shalt  }
0x43: {  	_ =	shalt  }
0x44: {  	_ =	shalt  }
0x45: {  	_ =	shalt  }
0x46: {  	_ =	shalt  }
0x47: {  	_ =	shalt  }
0x48: {  	_ =	shalt  }
0x49: {  	_ =	shalt  }
0x4a: {  	_ =	shalt  }
0x4b: {  	_ =	shalt  }
0x4c: {  	_ =	shalt  }
0x4d: {  	_ =	shalt  }
0x4e: {  	_ =	shalt  }
0x4f: {  	_ =	shalt  }
0x50: {  	_ =	shalt  }
0x51: {  	_ =	shalt  }
0x52: {  	_ =	shalt  }
0x53: {  	_ =	shalt  }
0x54: {  	_ =	shalt  }
0x55: {  	_ =	shalt  }
0x56: {  	_ =	shalt  }
0x57: {  	_ =	shalt  }
0x58: {  	_ =	shalt  }
0x59: {  	_ =	shalt  }
0x5a: {  	_ =	shalt  }
0x5b: {  	_ =	shalt  }
0x5c: {  	_ =	shalt  }
0x5d: {  	_ =	shalt  }
0x5e: {  	_ =	shalt  }
0x5f: {  	_ =	shalt  }
0x60: {  	_ =	shalt  }
0x61: {  	_ =	shalt  }
0x62: {  	_ =	shalt  }
0x63: {  	_ =	shalt  }
0x64: {  	_ =	shalt  }
0x65: {  	_ =	shalt  }
0x66: {  	_ =	shalt  }
0x67: {  	_ =	shalt  }
0x68: {  	_ =	shalt  }
0x69: {  	_ =	shalt  }
0x6a: {  	_ =	shalt  }
0x6b: {  	_ =	shalt  }
0x6c: {  	_ =	shalt  }
0x6d: {  	_ =	shalt  }
0x6e: {  	_ =	shalt  }
0x6f: {  	_ =	shalt  }
0x70: {  	_ =	shalt  }
0x71: {  	_ =	shalt  }
0x72: {  	_ =	shalt  }
0x73: {  	_ =	shalt  }
0x74: {  	_ =	shalt  }
0x75: {  	_ =	shalt  }
0x76: {  	_ =	shalt  }
0x77: {  	_ =	shalt  }
0x78: {  	_ =	shalt  }
0x79: {  	_ =	shalt  }
0x7a: {  	_ =	shalt  }
0x7b: {  	_ =	shalt  }
0x7c: {  	_ =	shalt  }
0x7d: {  	_ =	shalt  }
0x7e: {  	_ =	shalt  }
0x7f: {  	_ =	shalt  }
0x80: {  	_ =	shalt  }
0x81: {  	_ =	shalt  }
0x82: {  	_ =	shalt  }
0x83: {  	_ =	shalt  }
0x84: {  	_ =	shalt  }
0x85: {  	_ =	shalt  }
0x86: {  	_ =	shalt  }
0x87: {  	_ =	shalt  }
.Lfunc_end0:
.L_simem_size_0:
called_computation_lowered:
.L_overlay_start_0:
0x88: {  	s2 =	sld [smem:$0x3FD9]  }
0x89: {  	s3 =	sld [smem:$0x3FFE];
	_ =	sdelay $0x1  }
0x8a: {  	s1 =	srdreg.scid  }
0x8b: {  	s0 =	sand.u32 $0x1, s1  }
0x8c: {  	s17 =	sshll.u32 s0, $0xA;
	s2 =	sadd.s32 s3, s2  }
0x8d: {  	s2 =	sadd.s32 s2, s17  }
0x8e: {  	[smem:$0x3FC3] =	sst s2  }
0x8f: {  	_ = 	snop  }
0x90: {  	s2 =	sld [smem:$0x3FC9]  }
0x91: {  	s18 =	sld [smem:$0x3FC8]  }
0x92: {  	s4 =	sld [smem:$0x3FC7]  }
0x93: {  	s5 =	sld [smem:$0x3FC5]  }
0x94: {  	s6 =	sld [smem:$0x3FD0];
	(tm) =	ssettm $0x1  }
0x95: {  	s7 =	sld [smem:$0x3FFB];
	_ =	sdelay $0x3  }
0x96: {  	_ =	strace s7  }
0x97: {  	s7 =	sld [smem:$0x3FFC];
	_ =	sdelay $0x3  }
0x98: {  	_ =	strace s7  }
0x99: {  	s7 =	sld [smem:$0x3FFD];
	_ =	sdelay $0x3  }
0x9a: {  	_ =	strace s7  }
0x9b: {  	_ =	strace $0x8FFFFFFF  }
0x9c: {  	s19 =	sld [smem:$0x3FDB];
	_ =	sdelay $0x1  }
0x9d: {  	s8 =	simm.s32 $_scs_section_size  }
0x9e: {  	s9 =	simm.s32 $_size__tile_overlayer_lowered;
	s10 =	simm.s32 $_tile_overlayer_lowered  }
0x9f: {  	s22 =	simm.s32 $0x1BFF;
	s21 =	sshll.u32 s10, $0x1;
	s7 =	sadd.s32 s8, s19  }
0xa0: {  	s11 =	simm.s32 $0x0;
	s20 =	sshll.u32 s9, $0x1;
	s9 =	sadd.s32 s21, s7  }
0xa1: {  	[timem:s11], [sflag:s22] =	dma.local [hbm:s9], s20  }
0xa2: {  	_ =	swait.ge [sflag:s22], s20  }
0xa3: {  	s8 =	ssub.s32 $0x0, s20;
	[sflag:s22] =	ssyncset.done $0x0  }
0xa4: {  	[sflag:s22] =	ssyncadd.s32 s8;
	_ =	sdelay $0x1  }
0xa5: {  	s23 =	simm.s32 $0x1B8B  }
0xa6: {  	_ =	swait.ge [sflag:s23], $0x1  }
0xa7: {  	[sflag:s23] =	ssyncset.done $0x0  }
0xa8: {  	s25 =	simm.s32 $0x1B8E;
	s24 =	sld [smem:$0x3FFE];
	[sflag:s23] =	ssyncadd.s32 $0xFFFFFFFF  }
0xa9: {  	s26 =	simm.s32 $execute0_lowered;
	[smem:$0x3FD2] =	sst s25  }
0xaa: {  	s9 =	sshll.u32 s26, $0x1;
	_ =	strace $0x80000046;
	[dreg:$0x1] =	wrdreg $0xFFFFFFFF  }
0xab: {  	s28 =	simm.s32 $_size_execute0_lowered;
	s7 =	sadd.s32 s7, s9;
	[dreg:$0x0] =	wrdreg $0x0  }
0xac: {  	s9 =	sshll.u32 s28, $0x1;
	[dreg:$0x2] =	wrdreg s7  }
0xad: {  	[dreg:$0x3] =	wrdreg s9  }
0xae: {  	[dreg:$0x4] =	wrdreg $0xC0  }
0xaf: {  	_ =	task [dreg:s11], $0x5FFFF  }
0xb0: {  	[dreg:$0x1] =	wrdreg $0xFFFFFFFF  }
0xb1: {  	[dreg:$0x0] =	wrdreg $0x60  }
0xb2: {  	[dreg:$0x2] =	wrdreg s2  }
0xb3: {  	[dreg:$0x3] =	wrdreg s18  }
0xb4: {  	[dreg:$0x4] =	wrdreg s4  }
0xb5: {  	[dreg:$0x5] =	wrdreg s24  }
0xb6: {  	[dreg:$0x6] =	wrdreg s5  }
0xb7: {  	[dreg:$0x7] =	wrdreg s6  }
0xb8: {  	[dreg:$0x8] =	wrdreg $0x9  }
0xb9: {  	_ =	task.clear_ibuf [dreg:s11], $0x9FFFF;
	_ =	strace $0x90000046  }
0xba: {  	s29 =	simm.s32 $0x9;
	_ =	strace $0x80000048  }
0xbb: {  	_ =	swait.ge [sflag:s29], $0x1  }
0xbc: {  	[sflag:s29] =	ssyncadd.s32 $0xFFFFFFFF  }
0xbd: {  	_ =	strace $0x90000048  }
0xbe: {  	_ =	sfence  }
0xbf: {  	s30 =	sld [smem:$0x0];
	_ =	sdelay $0x2  }
0xc0: {  	s31 =	sshll.u32 s1, $0xD;
	s1 =	sshrl.u32 s1, $0x2  }
0xc1: {  	s3 =	sand.u32 $0x4000, s31;
	s1 =	sadd.s32 s1, s30  }
0xc2: {  	s0 =	sor.u32 s3, s0;
	s1 =	sshll.u32 s1, $0x11  }
0xc3: {  	s0 =	sor.u32 s1, s0  }
0xc4: {  	s0 =	sadd.s32 $0x8F2B, s0  }
0xc5: {  	[sflag:s0] =	ssyncadd.remote.s32 $0x1  }
0xc6: {  	_ =	sfence.sel $0xFFFF  }
0xc7: {  	[dreg:$0x0] =	wrdreg $0xFFFFFFFF;
	(pc) =	sbr.abs _section_cstart, $3  }
0xc8: {  	[dreg:$0x1] =	wrdreg $0xFFFFFFFF  }
0xc9: {  	_ =	task.clear_ibuf [dreg:s11], $0x2FFFF;
	_ =	strace $0x9FFFFFFF  }
0xca: {  	(tm) =	ssettm $0x7FFFFFFF  }
0xcb: {  	_ =	shalt  }
tec
execute0_lowered:
.L_overlay_start_1:
0x0: {  	(tag) =	ssettag $0x1  }
0x1: {  	s5 =	rddreg [dreg:$0x0]  }
0x2: {  	s6 =	rddreg [dreg:$0x1]  }
0x3: {  	s7 =	rddreg [dreg:$0x2]  }
0x4: {  	s4 =	rddreg [dreg:$0x3]  }
0x5: {  	s1 =	rddreg [dreg:$0x4]  }
0x6: {  	s8 =	rddreg [dreg:$0x5]  }
0x7: {  	s0 =	rddreg [dreg:$0x6];
	s2 =	simm.s32 $0x0  }
0x8: {  	s3 =	srdreg.scid;
	s13 =	simm.s32 $0x1;
	s14 =	simm.s32 $0x100  }
0x9: {  	s15 =	simm.s32 $0x600;
	s16 =	simm.s32 $0x800;
	s17 =	simm.s32 $0x700  }
0xa: {  	s18 =	simm.s32 $0x300;
	s19 =	simm.s32 $0x900;
	s20 =	simm.s32 $0x2  }
0xb: {  	s21 =	simm.s32 $0xE00;
	s22 =	simm.s32 $0x3;
	[smem:$0x7FF] =	sst s2  }
0xc: {  	s9 =	sand.u32 $0x1, s3;
	s3 =	stileid.u32;
	s4 =	sadd.s32 $0x400, s4  }
0xd: {  	s10 =	ssub.s32 $0x2, s9;
	s12 =	sshll.u32 s3, $0x7;
	s9 =	sshll.u32 s9, $0x6  }
0xe: {  	_ =	strace $0x80000047;
	s11 =	sshrl.u32 s10, $0x1;
	s9 =	sor.u32 s9, s12  }
0xf: {  	s12 =	simm.s32 $0xA00;
	s10 =	ssub.s32 s10, s11;
	s5 =	sadd.s32 s5, s9  }
0x10: {  	s6 =	sadd.s32 s6, s9;
	s7 =	sadd.s32 s7, s9;
	s8 =	sadd.s32 s8, s9  }
0x11: {  	s11 =	simm.s32 $0x400;
	s9 =	smax.u32 s10, $0x1;
	s10 =	simm.s32 $0x200  }
.LBB2_1:
0x12: {  	[tilespmem:s2], [sflag:$0x1] =	stream.linear.gather [hbm4b:s5+s2], $0x200, $0x38;
	[tilespmem:$0x1000] =	vst v63  }
0x13: {  	_ = 	snop  }
0x14: {  	[tilespmem:s10], [sflag:$0x1] =	stream.linear.gather [hbm4b:s6+s2], $0x200, $0x38;
	[tilespmem:$0x1000] =	vst v63  }
0x15: {  	_ = 	snop  }
0x16: {  	[tilespmem:s11], [sflag:$0x1] =	stream.linear.gather [hbm4b:s7+s2], $0x200, $0x38;
	[tilespmem:$0x1000] =	vst v63  }
0x17: {  	_ = 	snop  }
0x18: {  	[tilespmem:s12], [sflag:$0x1] =	stream.linear.gather [hbm4b:s1+s2], $0x400, $0x38;
	[tilespmem:$0x1000] =	vst v63  }
0x19: {  	_ =	swait.ge [sflag:s13], $0x200  }
0x1a: {  	[sflag:s13] =	ssyncset.done $0x0  }
0x1b: {  	[sflag:s13] =	ssyncadd.s32 $0xFFFFFE00  }
0x1c: {  	_ =	swait.ge [sflag:s13], $0x200  }
0x1d: {  	[sflag:s13] =	ssyncset.done $0x0  }
0x1e: {  	[sflag:s13] =	ssyncadd.s32 $0xFFFFFE00  }
0x1f: {  	[tilespmem:s15], [sflag:$0x2] =	stream.indirect.gather [hbm4b:s4+s14], $0x1, s2, s14, $0xb8;
	[tilespmem:$0x1000] =	vst v63  }
0x20: {  	_ = 	snop  }
0x21: {  	[tilespmem:s16], [sflag:$0x2] =	stream.indirect.gather [hbm4b:s4+s14], $0x1, s10, s14, $0xb8;
	[tilespmem:$0x1000] =	vst v63  }
0x22: {  	_ = 	snop  }
0x23: {  	[tilespmem:s17], [sflag:$0x2] =	stream.indirect.gather [hbm4b:s4+s14], $0x1, s14, s14, $0xb8;
	[tilespmem:$0x1000] =	vst v63  }
0x24: {  	_ = 	snop  }
0x25: {  	[tilespmem:s19], [sflag:$0x2] =	stream.indirect.gather [hbm4b:s4+s14], $0x1, s18, s14, $0xb8;
	[tilespmem:$0x1000] =	vst v63  }
0x26: {  	_ =	swait.ge [sflag:s13], $0x200  }
0x27: {  	[sflag:s13] =	ssyncset.done $0x0  }
0x28: {  	[sflag:s13] =	ssyncadd.s32 $0xFFFFFE00  }
0x29: {  	_ =	swait.ge [sflag:s13], $0x400  }
0x2a: {  	[sflag:s13] =	ssyncset.done $0x0  }
0x2b: {  	[sflag:s13] =	ssyncadd.s32 $0xFFFFFC00  }
0x2c: {  	_ =	swait.ge [sflag:s20], $0x100  }
0x2d: {  	[sflag:s20] =	ssyncset.done $0x0  }
0x2e: {  	[sflag:s20] =	ssyncadd.s32 $0xFFFFFF00  }
0x2f: {  	_ =	swait.ge [sflag:s20], $0x100  }
0x30: {  	[sflag:s20] =	ssyncset.done $0x0  }
0x31: {  	[sflag:s20] =	ssyncadd.s32 $0xFFFFFF00  }
0x32: {  	v0 =	vld [tilespmem:$0x400];
	_ =	sdelay $0x4  }
0x33: {  	v1 =	vld [tilespmem:$0x600]  }
0x34: {  	v2 =	vld [tilespmem:$0x800]  }
0x35: {  	v3 =	vld [tilespmem:$0x410]  }
0x36: {  	v0 =	vld.idx.msk [tilespmem:v0+s12+$0x0], $0xffff;
	_ =	sdelay $0x2  }
0x37: {  	v1 =	vsub.f32 v1, v2;
	_ =	sdelay $0x1  }
0x38: {  	v60 =	vld [tilespmem:$0x610];
	v0 =	vmul.f32 v1, v0  }
0x39: {  	v61 =	vld [tilespmem:$0x810]  }
0x3a: {  	v63 =	vld [tilespmem:$0x420];
	[tilespmem:$0xE00] =	vst v0  }
0x3b: {  	v62 =	vld.idx.msk [tilespmem:v3+s12+$0x0], $0xffff;
	_ =	sdelay $0x2  }
0x3c: {  	v0 =	vsub.f32 v60, v61;
	_ =	sdelay $0x1  }
0x3d: {  	v6 =	vld [tilespmem:$0x620];
	v0 =	vmul.f32 v0, v62  }
0x3e: {  	v7 =	vld [tilespmem:$0x820]  }
0x3f: {  	v9 =	vld [tilespmem:$0x430];
	[tilespmem:$0xE10] =	vst v0  }
0x40: {  	v8 =	vld.idx.msk [tilespmem:v63+s12+$0x0], $0xffff;
	_ =	sdelay $0x2  }
0x41: {  	v0 =	vsub.f32 v6, v7;
	_ =	sdelay $0x1  }
0x42: {  	v10 =	vld [tilespmem:$0x630];
	v0 =	vmul.f32 v0, v8  }
0x43: {  	v11 =	vld [tilespmem:$0x830]  }
0x44: {  	v13 =	vld [tilespmem:$0x440];
	[tilespmem:$0xE20] =	vst v0  }
0x45: {  	v12 =	vld.idx.msk [tilespmem:v9+s12+$0x0], $0xffff;
	_ =	sdelay $0x2  }
0x46: {  	v0 =	vsub.f32 v10, v11;
	_ =	sdelay $0x1  }
0x47: {  	v14 =	vld [tilespmem:$0x640];
	v0 =	vmul.f32 v0, v12  }
0x48: {  	v15 =	vld [tilespmem:$0x840]  }
0x49: {  	v17 =	vld [tilespmem:$0x450];
	[tilespmem:$0xE30] =	vst v0  }
0x4a: {  	v16 =	vld.idx.msk [tilespmem:v13+s12+$0x0], $0xffff;
	_ =	sdelay $0x2  }
0x4b: {  	v0 =	vsub.f32 v14, v15;
	_ =	sdelay $0x1  }
0x4c: {  	v18 =	vld [tilespmem:$0x650];
	v0 =	vmul.f32 v0, v16  }
0x4d: {  	v19 =	vld [tilespmem:$0x850]  }
0x4e: {  	v21 =	vld [tilespmem:$0x460];
	[tilespmem:$0xE40] =	vst v0  }
0x4f: {  	v20 =	vld.idx.msk [tilespmem:v17+s12+$0x0], $0xffff;
	_ =	sdelay $0x2  }
0x50: {  	v0 =	vsub.f32 v18, v19;
	_ =	sdelay $0x1  }
0x51: {  	v22 =	vld [tilespmem:$0x660];
	v0 =	vmul.f32 v0, v20  }
0x52: {  	v23 =	vld [tilespmem:$0x860]  }
0x53: {  	v25 =	vld [tilespmem:$0x470];
	[tilespmem:$0xE50] =	vst v0  }
0x54: {  	v24 =	vld.idx.msk [tilespmem:v21+s12+$0x0], $0xffff;
	_ =	sdelay $0x2  }
0x55: {  	v0 =	vsub.f32 v22, v23;
	_ =	sdelay $0x1  }
0x56: {  	v26 =	vld [tilespmem:$0x670];
	v0 =	vmul.f32 v0, v24  }
0x57: {  	v27 =	vld [tilespmem:$0x870]  }
0x58: {  	v29 =	vld [tilespmem:$0x480];
	[tilespmem:$0xE60] =	vst v0  }
0x59: {  	v28 =	vld.idx.msk [tilespmem:v25+s12+$0x0], $0xffff;
	_ =	sdelay $0x2  }
0x5a: {  	v0 =	vsub.f32 v26, v27;
	_ =	sdelay $0x1  }
0x5b: {  	v30 =	vld [tilespmem:$0x680];
	v0 =	vmul.f32 v0, v28  }
0x5c: {  	v31 =	vld [tilespmem:$0x880]  }
0x5d: {  	v33 =	vld [tilespmem:$0x490];
	[tilespmem:$0xE70] =	vst v0  }
0x5e: {  	v32 =	vld.idx.msk [tilespmem:v29+s12+$0x0], $0xffff;
	_ =	sdelay $0x2  }
0x5f: {  	v0 =	vsub.f32 v30, v31;
	_ =	sdelay $0x1  }
0x60: {  	v34 =	vld [tilespmem:$0x690];
	v0 =	vmul.f32 v0, v32  }
0x61: {  	v35 =	vld [tilespmem:$0x890]  }
0x62: {  	v37 =	vld [tilespmem:$0x4A0];
	[tilespmem:$0xE80] =	vst v0  }
0x63: {  	v36 =	vld.idx.msk [tilespmem:v33+s12+$0x0], $0xffff;
	_ =	sdelay $0x2  }
0x64: {  	v0 =	vsub.f32 v34, v35;
	_ =	sdelay $0x1  }
0x65: {  	v38 =	vld [tilespmem:$0x6A0];
	v0 =	vmul.f32 v0, v36  }
0x66: {  	v39 =	vld [tilespmem:$0x8A0]  }
0x67: {  	v41 =	vld [tilespmem:$0x4B0];
	[tilespmem:$0xE90] =	vst v0  }
0x68: {  	v40 =	vld.idx.msk [tilespmem:v37+s12+$0x0], $0xffff;
	_ =	sdelay $0x2  }
0x69: {  	v0 =	vsub.f32 v38, v39;
	_ =	sdelay $0x1  }
0x6a: {  	v42 =	vld [tilespmem:$0x6B0];
	v0 =	vmul.f32 v0, v40  }
0x6b: {  	v43 =	vld [tilespmem:$0x8B0]  }
0x6c: {  	v45 =	vld [tilespmem:$0x4C0];
	[tilespmem:$0xEA0] =	vst v0  }
0x6d: {  	v44 =	vld.idx.msk [tilespmem:v41+s12+$0x0], $0xffff;
	_ =	sdelay $0x2  }
0x6e: {  	v0 =	vsub.f32 v42, v43;
	_ =	sdelay $0x1  }
0x6f: {  	v46 =	vld [tilespmem:$0x6C0];
	v0 =	vmul.f32 v0, v44  }
0x70: {  	v47 =	vld [tilespmem:$0x8C0]  }
0x71: {  	v49 =	vld [tilespmem:$0x4D0];
	[tilespmem:$0xEB0] =	vst v0  }
0x72: {  	v48 =	vld.idx.msk [tilespmem:v45+s12+$0x0], $0xffff;
	_ =	sdelay $0x2  }
0x73: {  	v0 =	vsub.f32 v46, v47;
	_ =	sdelay $0x1  }
0x74: {  	v50 =	vld [tilespmem:$0x6D0];
	v0 =	vmul.f32 v0, v48  }
0x75: {  	v51 =	vld [tilespmem:$0x8D0]  }
0x76: {  	v53 =	vld [tilespmem:$0x4E0];
	[tilespmem:$0xEC0] =	vst v0  }
0x77: {  	v52 =	vld.idx.msk [tilespmem:v49+s12+$0x0], $0xffff;
	_ =	sdelay $0x2  }
0x78: {  	v0 =	vsub.f32 v50, v51;
	_ =	sdelay $0x1  }
0x79: {  	v54 =	vld [tilespmem:$0x6E0];
	v0 =	vmul.f32 v0, v52  }
0x7a: {  	v55 =	vld [tilespmem:$0x8E0]  }
0x7b: {  	v57 =	vld [tilespmem:$0x4F0];
	[tilespmem:$0xED0] =	vst v0  }
0x7c: {  	v56 =	vld.idx.msk [tilespmem:v53+s12+$0x0], $0xffff;
	_ =	sdelay $0x2  }
0x7d: {  	v0 =	vsub.f32 v54, v55;
	_ =	sdelay $0x1  }
0x7e: {  	v58 =	vld [tilespmem:$0x6F0];
	v0 =	vmul.f32 v0, v56  }
0x7f: {  	v59 =	vld [tilespmem:$0x8F0]  }
0x80: {  	[tilespmem:$0xEE0] =	vst v0  }
0x81: {  	v0 =	vld.idx.msk [tilespmem:v57+s12+$0x0], $0xffff;
	_ =	sdelay $0x2  }
0x82: {  	v1 =	vsub.f32 v58, v59;
	_ =	sdelay $0x1  }
0x83: {  	v0 =	vmul.f32 v1, v0;
	_ =	sdelay $0x1  }
0x84: {  	[tilespmem:$0xEF0] =	vst v0  }
0x85: {  	_ =	swait.ge [sflag:s20], $0x100  }
0x86: {  	[sflag:s20] =	ssyncset.done $0x0  }
0x87: {  	[sflag:s20] =	ssyncadd.s32 $0xFFFFFF00  }
0x88: {  	_ =	swait.ge [sflag:s20], $0x100  }
0x89: {  	[sflag:s20] =	ssyncset.done $0x0  }
0x8a: {  	[sflag:s20] =	ssyncadd.s32 $0xFFFFFF00  }
0x8b: {  	v60 =	vld [tilespmem:$0x500];
	_ =	sdelay $0x4  }
0x8c: {  	v61 =	vld [tilespmem:$0x700]  }
0x8d: {  	v62 =	vld [tilespmem:$0x900]  }
0x8e: {  	v63 =	vld [tilespmem:$0x510]  }
0x8f: {  	v0 =	vld.idx.msk [tilespmem:v60+s12+$0x0], $0xffff;
	_ =	sdelay $0x2  }
0x90: {  	v1 =	vsub.f32 v61, v62;
	_ =	sdelay $0x1  }
0x91: {  	v6 =	vld [tilespmem:$0x710];
	v0 =	vmul.f32 v1, v0  }
0x92: {  	v7 =	vld [tilespmem:$0x910]  }
0x93: {  	v9 =	vld [tilespmem:$0x520];
	[tilespmem:$0xF00] =	vst v0  }
0x94: {  	v8 =	vld.idx.msk [tilespmem:v63+s12+$0x0], $0xffff;
	_ =	sdelay $0x2  }
0x95: {  	v0 =	vsub.f32 v6, v7;
	_ =	sdelay $0x1  }
0x96: {  	v10 =	vld [tilespmem:$0x720];
	v0 =	vmul.f32 v0, v8  }
0x97: {  	v11 =	vld [tilespmem:$0x920]  }
0x98: {  	v13 =	vld [tilespmem:$0x530];
	[tilespmem:$0xF10] =	vst v0  }
0x99: {  	v12 =	vld.idx.msk [tilespmem:v9+s12+$0x0], $0xffff;
	_ =	sdelay $0x2  }
0x9a: {  	v0 =	vsub.f32 v10, v11;
	_ =	sdelay $0x1  }
0x9b: {  	v14 =	vld [tilespmem:$0x730];
	v0 =	vmul.f32 v0, v12  }
0x9c: {  	v15 =	vld [tilespmem:$0x930]  }
0x9d: {  	v17 =	vld [tilespmem:$0x540];
	[tilespmem:$0xF20] =	vst v0  }
0x9e: {  	v16 =	vld.idx.msk [tilespmem:v13+s12+$0x0], $0xffff;
	_ =	sdelay $0x2  }
0x9f: {  	v0 =	vsub.f32 v14, v15;
	_ =	sdelay $0x1  }
0xa0: {  	v18 =	vld [tilespmem:$0x740];
	v0 =	vmul.f32 v0, v16  }
0xa1: {  	v19 =	vld [tilespmem:$0x940]  }
0xa2: {  	v21 =	vld [tilespmem:$0x550];
	[tilespmem:$0xF30] =	vst v0  }
0xa3: {  	v20 =	vld.idx.msk [tilespmem:v17+s12+$0x0], $0xffff;
	_ =	sdelay $0x2  }
0xa4: {  	v0 =	vsub.f32 v18, v19;
	_ =	sdelay $0x1  }
0xa5: {  	v22 =	vld [tilespmem:$0x750];
	v0 =	vmul.f32 v0, v20  }
0xa6: {  	v23 =	vld [tilespmem:$0x950]  }
0xa7: {  	v25 =	vld [tilespmem:$0x560];
	[tilespmem:$0xF40] =	vst v0  }
0xa8: {  	v24 =	vld.idx.msk [tilespmem:v21+s12+$0x0], $0xffff;
	_ =	sdelay $0x2  }
0xa9: {  	v0 =	vsub.f32 v22, v23;
	_ =	sdelay $0x1  }
0xaa: {  	v26 =	vld [tilespmem:$0x760];
	v0 =	vmul.f32 v0, v24  }
0xab: {  	v27 =	vld [tilespmem:$0x960]  }
0xac: {  	v29 =	vld [tilespmem:$0x570];
	[tilespmem:$0xF50] =	vst v0  }
0xad: {  	v28 =	vld.idx.msk [tilespmem:v25+s12+$0x0], $0xffff;
	_ =	sdelay $0x2  }
0xae: {  	v0 =	vsub.f32 v26, v27;
	_ =	sdelay $0x1  }
0xaf: {  	v30 =	vld [tilespmem:$0x770];
	v0 =	vmul.f32 v0, v28  }
0xb0: {  	v31 =	vld [tilespmem:$0x970]  }
0xb1: {  	v33 =	vld [tilespmem:$0x580];
	[tilespmem:$0xF60] =	vst v0  }
0xb2: {  	v32 =	vld.idx.msk [tilespmem:v29+s12+$0x0], $0xffff;
	_ =	sdelay $0x2  }
0xb3: {  	v0 =	vsub.f32 v30, v31;
	_ =	sdelay $0x1  }
0xb4: {  	v34 =	vld [tilespmem:$0x780];
	v0 =	vmul.f32 v0, v32  }
0xb5: {  	v35 =	vld [tilespmem:$0x980]  }
0xb6: {  	v37 =	vld [tilespmem:$0x590];
	[tilespmem:$0xF70] =	vst v0  }
0xb7: {  	v36 =	vld.idx.msk [tilespmem:v33+s12+$0x0], $0xffff;
	_ =	sdelay $0x2  }
0xb8: {  	v0 =	vsub.f32 v34, v35;
	_ =	sdelay $0x1  }
0xb9: {  	v38 =	vld [tilespmem:$0x790];
	v0 =	vmul.f32 v0, v36  }
0xba: {  	v39 =	vld [tilespmem:$0x990]  }
0xbb: {  	v41 =	vld [tilespmem:$0x5A0];
	[tilespmem:$0xF80] =	vst v0  }
0xbc: {  	v40 =	vld.idx.msk [tilespmem:v37+s12+$0x0], $0xffff;
	_ =	sdelay $0x2  }
0xbd: {  	v0 =	vsub.f32 v38, v39;
	_ =	sdelay $0x1  }
0xbe: {  	v42 =	vld [tilespmem:$0x7A0];
	v0 =	vmul.f32 v0, v40  }
0xbf: {  	v43 =	vld [tilespmem:$0x9A0]  }
0xc0: {  	v45 =	vld [tilespmem:$0x5B0];
	[tilespmem:$0xF90] =	vst v0  }
0xc1: {  	v44 =	vld.idx.msk [tilespmem:v41+s12+$0x0], $0xffff;
	_ =	sdelay $0x2  }
0xc2: {  	v0 =	vsub.f32 v42, v43;
	_ =	sdelay $0x1  }
0xc3: {  	v46 =	vld [tilespmem:$0x7B0];
	v0 =	vmul.f32 v0, v44  }
0xc4: {  	v47 =	vld [tilespmem:$0x9B0]  }
0xc5: {  	v49 =	vld [tilespmem:$0x5C0];
	[tilespmem:$0xFA0] =	vst v0  }
0xc6: {  	v48 =	vld.idx.msk [tilespmem:v45+s12+$0x0], $0xffff;
	_ =	sdelay $0x2  }
0xc7: {  	v0 =	vsub.f32 v46, v47;
	_ =	sdelay $0x1  }
0xc8: {  	v50 =	vld [tilespmem:$0x7C0];
	v0 =	vmul.f32 v0, v48  }
0xc9: {  	v51 =	vld [tilespmem:$0x9C0]  }
0xca: {  	v53 =	vld [tilespmem:$0x5D0];
	[tilespmem:$0xFB0] =	vst v0  }
0xcb: {  	v52 =	vld.idx.msk [tilespmem:v49+s12+$0x0], $0xffff;
	_ =	sdelay $0x2  }
0xcc: {  	v0 =	vsub.f32 v50, v51;
	_ =	sdelay $0x1  }
0xcd: {  	v54 =	vld [tilespmem:$0x7D0];
	v0 =	vmul.f32 v0, v52  }
0xce: {  	v55 =	vld [tilespmem:$0x9D0]  }
0xcf: {  	v57 =	vld [tilespmem:$0x5E0];
	[tilespmem:$0xFC0] =	vst v0  }
0xd0: {  	v56 =	vld.idx.msk [tilespmem:v53+s12+$0x0], $0xffff;
	_ =	sdelay $0x2  }
0xd1: {  	v0 =	vsub.f32 v54, v55;
	_ =	sdelay $0x1  }
0xd2: {  	v58 =	vld [tilespmem:$0x7E0];
	v0 =	vmul.f32 v0, v56  }
0xd3: {  	v59 =	vld [tilespmem:$0x9E0]  }
0xd4: {  	v61 =	vld [tilespmem:$0x5F0];
	[tilespmem:$0xFD0] =	vst v0  }
0xd5: {  	v60 =	vld.idx.msk [tilespmem:v57+s12+$0x0], $0xffff;
	_ =	sdelay $0x2  }
0xd6: {  	v0 =	vsub.f32 v58, v59;
	_ =	sdelay $0x1  }
0xd7: {  	v62 =	vld [tilespmem:$0x7F0];
	v0 =	vmul.f32 v0, v60  }
0xd8: {  	v63 =	vld [tilespmem:$0x9F0]  }
0xd9: {  	[tilespmem:$0xFE0] =	vst v0  }
0xda: {  	v0 =	vld.idx.msk [tilespmem:v61+s12+$0x0], $0xffff;
	_ =	sdelay $0x2  }
0xdb: {  	v1 =	vsub.f32 v62, v63;
	_ =	sdelay $0x1  }
0xdc: {  	v0 =	vmul.f32 v1, v0  }
0xdd: {  	p0 =	sne.s32 s9, $0x1  }
.Ltmp0:
0xde: {  	[tilespmem:$0xFF0] =	vst v0;
	(pc) =	sbr.rel @p0 .LBB2_1-.Ltmp0, $4  }
0xdf: {  	[hbm4b:s8+s2] =	stream.linear.scatter [tilespmem:s21], [sflag:$0x3], $0x200, $0x38;
	[tilespmem:$0x1000] =	vst v63  }
0xe0: {  	_ =	swait.ge [sflag:s22], $0x200  }
0xe1: {  	[sflag:s22] =	ssyncset.done $0x0  }
0xe2: {  	s9 =	sadd.s32 $0xFFFFFFFF, s9;
	[sflag:s22] =	ssyncadd.s32 $0xFFFFFE00  }
0xe3: {  	_ =	sfence.sel $0x180000  }
0xe4: {  	[bflag:$0x0] =	sbarrier.arrive $0xFFFF  }
0xe5: {  	p0 =	sne.s32 s3, $0x0;
	_ =	strace $0x90000047  }
0xe6: {  	s0 =	sadd.s32 @!p0 $0x100000, s0;
	[bflag:$0x2] =	sbarrier.arrive $0xFFFF  }
0xe7: {  	[sflag:s0] =	ssyncadd.tile.s32 @!p0 $0x1;
	_ =	shalt  }
.Lfunc_end2:
_tile_overlayer_lowered:
.L_overlay_start_2:
0xe8: {  	(tag) =	ssettag $0x2  }
0xe9: {  	s0 =	rddreg [dreg:$0x0];
	s2 =	stileid.u32  }
0xea: {  	s1 =	rddreg [dreg:$0x1];
	p0 =	sne.s32 s2, $0x0  }
0xeb: {  	s3 =	rddreg [dreg:$0x2];
	[bflag:$0x3] =	sbarrier.arrive $0xFFFF;
	s2 =	simm.s32 @!p0 $0x1C03  }
0xec: {  	[timem:s3], [sflag:s2] =	dma.local @!p0 [hbm:s0], s1  }
0xed: {  	s0 =	simm.s32 @!p0 $0x3  }
0xee: {  	_ =	swait.ge @!p0 [sflag:s0], s1  }
0xef: {  	s1 =	ssub.s32 @!p0 $0x0, s1;
	[sflag:s0] =	ssyncset.done @!p0 $0x0  }
0xf0: {  	[sflag:s0] =	ssyncadd.s32 @!p0 s1  }
0xf1: {  	[bflag:$0x3] =	sbarrier.arrive $0xFFFF  }
0xf2: {  	_ =	shalt  }

</sc_bundles>
